<compile_context>
chip_gen: v7x
topology: tpu7x:2x2x1
jax: 0.10.2.dev20260603
libtpu: 0.0.44.dev20260713+nightly
codegen_flags: <defaults>
</compile_context>

<pallas_src>
import functools

import jax
import jax.numpy as jnp
from jax import lax
from jax.experimental import pallas as pl
from jax.experimental.pallas import tpu as pltpu
from jax.experimental.pallas import tpu_sc as plsc

B, S, D = 1024, 200, 64
NC, NS = 2, 16
NW = NC * NS
ROWS_PER_W = B // NW
LANES = 16
CHUNKS = ((0, 128), (128, 72))


def _emb_body(x_hbm, tok_hbm, pos_hbm, out_hbm, idx_v, rows_v, pos_v, sem):
    wid = lax.axis_index("s") * NC + lax.axis_index("c")
    base = wid * ROWS_PER_W

    pltpu.sync_copy(pos_hbm.at[pl.ds(0, S)], pos_v)

    def row_body(r, carry):
        b = base + r
        pltpu.sync_copy(x_hbm.at[b], idx_v)
        cps = [
            pltpu.async_copy(
                tok_hbm.at[idx_v.at[pl.ds(off, n)]],
                rows_v.at[pl.ds(off, n)],
                sem,
            )
            for off, n in CHUNKS
        ]
        for cp in cps:
            cp.wait()

        def add_body(i, c):
            for d in range(D // LANES):
                sl = pl.ds(d * LANES, LANES)
                plsc.addupdate(rows_v.at[i, sl], pos_v[i, sl])
            return c

        lax.fori_loop(0, S, add_body, 0, unroll=2)

        pltpu.sync_copy(rows_v, out_hbm.at[b])
        return carry

    lax.fori_loop(0, ROWS_PER_W, row_body, 0)


@functools.partial(
    pl.kernel,
    out_type=jax.ShapeDtypeStruct((B, S, D), jnp.float32),
    mesh=plsc.VectorSubcoreMesh(core_axis_name="c", subcore_axis_name="s"),
    scratch_types=[
        pltpu.VMEM((S,), jnp.int32),
        pltpu.VMEM((S, D), jnp.float32),
        pltpu.VMEM((S, D), jnp.float32),
        pltpu.SemaphoreType.DMA,
    ],
    compiler_params=pltpu.CompilerParams(use_tc_tiling_on_sc=False),
)
def _emb(x_hbm, tok_hbm, pos_hbm, out_hbm, idx_v, rows_v, pos_v, sem):
    _emb_body(x_hbm, tok_hbm, pos_hbm, out_hbm, idx_v, rows_v, pos_v, sem)


@jax.jit
def kernel(x, token_table, pos_table):
    return _emb(x.astype(jnp.int32), token_table, pos_table)

# --- scband reference (transcript-rebuilt; emitter-appended) ---
"""Pipeline reference for scband-input-embedding-9277129359947 (READ-ONLY COPY).

The authoritative reference and input builder live on the scoring server;
editing this copy changes nothing except your own understanding.
"""

import jax, jax.numpy as jnp
import numpy as np

VOCAB = 1000000
D_MODEL = 64
MAX_LEN = 5000
BATCH = 1024
SEQ = 200

def setup_inputs(seed: int = 0) -> dict:
    key = jax.random.key(seed)
    k1, k2, k3 = jax.random.split(key, 3)
    x = jax.random.randint(k1, (BATCH, SEQ), 0, VOCAB, dtype=jnp.int64 if jax.config.jax_enable_x64 else jnp.int32)
    token_table = jax.random.normal(k2, (VOCAB, D_MODEL), dtype=jnp.float32) * 0.02
    pos_table = jax.random.normal(k3, (MAX_LEN, D_MODEL), dtype=jnp.float32) * 0.02
    return {"x": x, "token_table": token_table, "pos_table": pos_table}

def reference(x, token_table, pos_table):
    # token embedding gather
    emb = jnp.take(token_table, x, axis=0)  # [B, S, D]
    # learned positional encoding: add pos embedding for first seq_len positions
    seq_len = x.shape[1]
    emb = emb + pos_table[None, :seq_len, :]
    # dropout in eval mode -> identity
    return emb

if __name__ == "__main__":
    import jax
    _d = setup_inputs()
    print(jax.jit(kernel)(*tuple(_d.values())))

</pallas_src>

<mosaic_0001>
#map = affine_map<(d0, d1) -> (0, 0)>
#map1 = affine_map<(d0, d1) -> (0, 0, 0)>
module attributes {stable_mosaic.version = 14 : i64} {
  func.func @_emb(%arg0: i32, %arg1: i32, %arg2: memref<1024x200xi32, #tpu.memory_space<hbm>>, %arg3: memref<1000000x64xf32, #tpu.memory_space<hbm>>, %arg4: memref<5000x64xf32, #tpu.memory_space<hbm>>, %arg5: memref<1024x200x64xf32, #tpu.memory_space<hbm>>, %arg6: memref<200xi32, #tpu.memory_space<vmem>>, %arg7: memref<200x64xf32, #tpu.memory_space<vmem>>, %arg8: memref<200x64xf32, #tpu.memory_space<vmem>>, %arg9: memref<!tpu.dma_semaphore, #tpu.memory_space<semaphore_mem>>) attributes {dimension_semantics = [#tpu.dimension_semantics<core_parallel>, #tpu.dimension_semantics<subcore_parallel>], iteration_bounds = array<i64: 2, 16>, scalar_prefetch = 0 : i64, scratch_operands = 4 : i64, tpu.core_type = #tpu.core_type<sc_vector_subcore>, window_params = [{transform_indices = #map}, {transform_indices = #map}, {transform_indices = #map}, {transform_indices = #map1}]} {
    %mul3A = arith.constant 2 : i32
    %mul3A_0 = arith.muli %arg1, %mul3A : i32
    %add3A = arith.addi %mul3A_0, %arg0 : i32
    %mul3A_1 = arith.constant 32 : i32
    %mul3A_2 = arith.muli %add3A, %mul3A_1 : i32
    "tpu.region"() ({
      %run_scoped3A = tpu.sem_alloc : memref<!tpu.dma_semaphore, #tpu.memory_space<semaphore_mem>>
      %dma_start3A = arith.constant 0 : i32
      %dma_start3A_8 = arith.constant 0 : i32
      %dma_start3A_9 = tpu.memref_slice %arg4[%dma_start3A, %dma_start3A_8] : memref<5000x64xf32, #tpu.memory_space<hbm>> -> memref<200x64xf32, #tpu.memory_space<hbm>>
      %dma_start3A_10 = arith.constant 0 : i32
      %dma_start3A_11 = arith.constant 0 : i32
      %dma_start3A_12 = tpu.memref_slice %arg4[%dma_start3A_10, %dma_start3A_11] : memref<5000x64xf32, #tpu.memory_space<hbm>> -> memref<200x64xf32, #tpu.memory_space<hbm>>
      tpu.enqueue_dma source(%dma_start3A_12 : memref<200x64xf32, #tpu.memory_space<hbm>>) target(%arg8 : memref<200x64xf32, #tpu.memory_space<vmem>>) target_semaphore(%run_scoped3A : memref<!tpu.dma_semaphore, #tpu.memory_space<semaphore_mem>>)
      %dma_wait3A = arith.constant 0 : i32
      %dma_wait3A_13 = arith.constant 0 : i32
      %dma_wait3A_14 = tpu.memref_slice %arg4[%dma_wait3A, %dma_wait3A_13] : memref<5000x64xf32, #tpu.memory_space<hbm>> -> memref<200x64xf32, #tpu.memory_space<hbm>>
      %dma_wait3A_15 = arith.constant 0 : i32
      %dma_wait3A_16 = arith.constant 0 : i32
      %dma_wait3A_17 = tpu.memref_slice %arg4[%dma_wait3A_15, %dma_wait3A_16] : memref<5000x64xf32, #tpu.memory_space<hbm>> -> memref<200x64xf32, #tpu.memory_space<hbm>>
      tpu.wait_dma2 semaphore(%run_scoped3A : memref<!tpu.dma_semaphore, #tpu.memory_space<semaphore_mem>>) src(%dma_wait3A_17 : memref<200x64xf32, #tpu.memory_space<hbm>>) dst(%arg8 : memref<200x64xf32, #tpu.memory_space<vmem>>)
      tpu.yield
    }) : () -> ()
    %scan3A = arith.constant 0 : i32
    %scan3A_3 = arith.constant 0 : i32
    %scan3A_4 = arith.constant 32 : i32
    %scan3A_5 = arith.addi %scan3A_3, %scan3A_4 : i32
    %scan3A_6 = arith.constant 1 : i32
    scf.for %scan3A_8 = %scan3A_3 to %scan3A_5 step %scan3A_6  : i32 {
      %add3A_9 = arith.addi %mul3A_2, %scan3A_8 : i32
      "tpu.region"() ({
        %run_scoped3A = tpu.sem_alloc : memref<!tpu.dma_semaphore, #tpu.memory_space<semaphore_mem>>
        %dma_start3A_46 = arith.constant 0 : i32
        %dma_start3A_47 = tpu.memref_slice %arg2[%add3A_9, %dma_start3A_46] : memref<1024x200xi32, #tpu.memory_space<hbm>> -> memref<1x200xi32, #tpu.memory_space<hbm>>
        %dma_start3A_48 = tpu.memref_squeeze %dma_start3A_47 : memref<1x200xi32, #tpu.memory_space<hbm>> -> memref<200xi32, #tpu.memory_space<hbm>>
        %dma_start3A_49 = arith.constant 0 : i32
        %dma_start3A_50 = tpu.memref_slice %arg2[%add3A_9, %dma_start3A_49] : memref<1024x200xi32, #tpu.memory_space<hbm>> -> memref<1x200xi32, #tpu.memory_space<hbm>>
        %dma_start3A_51 = tpu.memref_squeeze %dma_start3A_50 : memref<1x200xi32, #tpu.memory_space<hbm>> -> memref<200xi32, #tpu.memory_space<hbm>>
        tpu.enqueue_dma source(%dma_start3A_51 : memref<200xi32, #tpu.memory_space<hbm>>) target(%arg6 : memref<200xi32, #tpu.memory_space<vmem>>) target_semaphore(%run_scoped3A : memref<!tpu.dma_semaphore, #tpu.memory_space<semaphore_mem>>)
        %dma_wait3A_52 = arith.constant 0 : i32
        %dma_wait3A_53 = tpu.memref_slice %arg2[%add3A_9, %dma_wait3A_52] : memref<1024x200xi32, #tpu.memory_space<hbm>> -> memref<1x200xi32, #tpu.memory_space<hbm>>
        %dma_wait3A_54 = tpu.memref_squeeze %dma_wait3A_53 : memref<1x200xi32, #tpu.memory_space<hbm>> -> memref<200xi32, #tpu.memory_space<hbm>>
        %dma_wait3A_55 = arith.constant 0 : i32
        %dma_wait3A_56 = tpu.memref_slice %arg2[%add3A_9, %dma_wait3A_55] : memref<1024x200xi32, #tpu.memory_space<hbm>> -> memref<1x200xi32, #tpu.memory_space<hbm>>
        %dma_wait3A_57 = tpu.memref_squeeze %dma_wait3A_56 : memref<1x200xi32, #tpu.memory_space<hbm>> -> memref<200xi32, #tpu.memory_space<hbm>>
        tpu.wait_dma2 semaphore(%run_scoped3A : memref<!tpu.dma_semaphore, #tpu.memory_space<semaphore_mem>>) src(%dma_wait3A_57 : memref<200xi32, #tpu.memory_space<hbm>>) dst(%arg6 : memref<200xi32, #tpu.memory_space<vmem>>)
        tpu.yield
      }) : () -> ()
      %dma_start3A = arith.constant 0 : i32
      %dma_start3A_10 = arith.constant 0 : i32
      %dma_start3A_11 = tpu.memref_slice %arg7[%dma_start3A, %dma_start3A_10] : memref<200x64xf32, #tpu.memory_space<vmem>> -> memref<128x64xf32, #tpu.memory_space<vmem>>
      %dma_start3A_12 = arith.constant 0 : i32
      %dma_start3A_13 = tpu.memref_slice %arg6[%dma_start3A_12] : memref<200xi32, #tpu.memory_space<vmem>> -> memref<128xi32, #tpu.memory_space<vmem>>
      %dma_start3A_14 = arith.constant 0 : i32
      %dma_start3A_15 = arith.constant 0 : i32
      %dma_start3A_16 = tpu.memref_slice %arg3[%dma_start3A_14, %dma_start3A_15] : memref<1000000x64xf32, #tpu.memory_space<hbm>> -> memref<1000000x64xf32, #tpu.memory_space<hbm>>
      tpu.enqueue_indirect_dma source(%dma_start3A_16 : memref<1000000x64xf32, #tpu.memory_space<hbm>>) target(%dma_start3A_11 : memref<128x64xf32, #tpu.memory_space<vmem>>) offsets(%dma_start3A_13 : memref<128xi32, #tpu.memory_space<vmem>>) semaphore(%arg9 : memref<!tpu.dma_semaphore, #tpu.memory_space<semaphore_mem>>)
      %dma_start3A_17 = arith.constant 128 : i32
      %dma_start3A_18 = arith.constant 0 : i32
      %dma_start3A_19 = tpu.memref_slice %arg7[%dma_start3A_17, %dma_start3A_18] : memref<200x64xf32, #tpu.memory_space<vmem>> -> memref<72x64xf32, #tpu.memory_space<vmem>>
      %dma_start3A_20 = arith.constant 128 : i32
      %dma_start3A_21 = tpu.memref_slice %arg6[%dma_start3A_20] : memref<200xi32, #tpu.memory_space<vmem>> -> memref<72xi32, #tpu.memory_space<vmem>>
      %dma_start3A_22 = arith.constant 0 : i32
      %dma_start3A_23 = arith.constant 0 : i32
      %dma_start3A_24 = tpu.memref_slice %arg3[%dma_start3A_22, %dma_start3A_23] : memref<1000000x64xf32, #tpu.memory_space<hbm>> -> memref<1000000x64xf32, #tpu.memory_space<hbm>>
      tpu.enqueue_indirect_dma source(%dma_start3A_24 : memref<1000000x64xf32, #tpu.memory_space<hbm>>) target(%dma_start3A_19 : memref<72x64xf32, #tpu.memory_space<vmem>>) offsets(%dma_start3A_21 : memref<72xi32, #tpu.memory_space<vmem>>) semaphore(%arg9 : memref<!tpu.dma_semaphore, #tpu.memory_space<semaphore_mem>>)
      %dma_wait3A = arith.constant 0 : i32
      %dma_wait3A_25 = arith.constant 0 : i32
      %dma_wait3A_26 = tpu.memref_slice %arg7[%dma_wait3A, %dma_wait3A_25] : memref<200x64xf32, #tpu.memory_space<vmem>> -> memref<128x64xf32, #tpu.memory_space<vmem>>
      %dma_wait3A_27 = arith.constant 0 : i32
      %dma_wait3A_28 = tpu.memref_slice %arg6[%dma_wait3A_27] : memref<200xi32, #tpu.memory_space<vmem>> -> memref<128xi32, #tpu.memory_space<vmem>>
      %dma_wait3A_29 = arith.constant 0 : i32
      %dma_wait3A_30 = arith.constant 0 : i32
      %dma_wait3A_31 = tpu.memref_slice %arg3[%dma_wait3A_29, %dma_wait3A_30] : memref<1000000x64xf32, #tpu.memory_space<hbm>> -> memref<1000000x64xf32, #tpu.memory_space<hbm>>
      tpu.wait_indirect_dma semaphore(%arg9 : memref<!tpu.dma_semaphore, #tpu.memory_space<semaphore_mem>>) src(%dma_wait3A_31 : memref<1000000x64xf32, #tpu.memory_space<hbm>>) dst(%dma_wait3A_26 : memref<128x64xf32, #tpu.memory_space<vmem>>)
      %dma_wait3A_32 = arith.constant 128 : i32
      %dma_wait3A_33 = arith.constant 0 : i32
      %dma_wait3A_34 = tpu.memref_slice %arg7[%dma_wait3A_32, %dma_wait3A_33] : memref<200x64xf32, #tpu.memory_space<vmem>> -> memref<72x64xf32, #tpu.memory_space<vmem>>
      %dma_wait3A_35 = arith.constant 128 : i32
      %dma_wait3A_36 = tpu.memref_slice %arg6[%dma_wait3A_35] : memref<200xi32, #tpu.memory_space<vmem>> -> memref<72xi32, #tpu.memory_space<vmem>>
      %dma_wait3A_37 = arith.constant 0 : i32
      %dma_wait3A_38 = arith.constant 0 : i32
      %dma_wait3A_39 = tpu.memref_slice %arg3[%dma_wait3A_37, %dma_wait3A_38] : memref<1000000x64xf32, #tpu.memory_space<hbm>> -> memref<1000000x64xf32, #tpu.memory_space<hbm>>
      tpu.wait_indirect_dma semaphore(%arg9 : memref<!tpu.dma_semaphore, #tpu.memory_space<semaphore_mem>>) src(%dma_wait3A_39 : memref<1000000x64xf32, #tpu.memory_space<hbm>>) dst(%dma_wait3A_34 : memref<72x64xf32, #tpu.memory_space<vmem>>)
      %scan3A_40 = arith.constant 0 : i32
      %scan3A_41 = arith.constant 0 : i32
      %scan3A_42 = arith.constant 200 : i32
      %scan3A_43 = arith.addi %scan3A_41, %scan3A_42 : i32
      %scan3A_44 = arith.constant 2 : i32
      scf.for %scan3A_46 = %scan3A_41 to %scan3A_43 step %scan3A_44  : i32 {
        %get3A = arith.index_cast %scan3A_46 : i32 to index
        %get3A_47 = arith.constant 0 : index
        %get3A_48 = tpu.vector_load %arg8[%get3A, %get3A_47] {strides = array<i32>} : memref<200x64xf32, #tpu.memory_space<vmem>>, vector<1x16xf32>,
        %get3A_49 = vector.shape_cast %get3A_48 : vector<1x16xf32> to vector<16xf32>
        %swap3A = arith.index_cast %scan3A_46 : i32 to index
        %swap3A_50 = arith.constant 0 : index
        %swap3A_51 = tpu.vector_load %arg7[%swap3A, %swap3A_50] {strides = array<i32>} : memref<200x64xf32, #tpu.memory_space<vmem>>, vector<1x16xf32>,
        %swap3A_52 = vector.shape_cast %swap3A_51 : vector<1x16xf32> to vector<16xf32>
        %swap3A_53 = vector.shape_cast %get3A_49 : vector<16xf32> to vector<1x16xf32>
        tpu.vector_store %arg7[%swap3A, %swap3A_50], %swap3A_53 {add = true, strides = array<i32>} : memref<200x64xf32, #tpu.memory_space<vmem>>, vector<1x16xf32>,
        %get3A_54 = arith.index_cast %scan3A_46 : i32 to index
        %get3A_55 = arith.constant 16 : index
        %get3A_56 = tpu.vector_load %arg8[%get3A_54, %get3A_55] {strides = array<i32>} : memref<200x64xf32, #tpu.memory_space<vmem>>, vector<1x16xf32>,
        %get3A_57 = vector.shape_cast %get3A_56 : vector<1x16xf32> to vector<16xf32>
        %swap3A_58 = arith.index_cast %scan3A_46 : i32 to index
        %swap3A_59 = arith.constant 16 : index
        %swap3A_60 = tpu.vector_load %arg7[%swap3A_58, %swap3A_59] {strides = array<i32>} : memref<200x64xf32, #tpu.memory_space<vmem>>, vector<1x16xf32>,
        %swap3A_61 = vector.shape_cast %swap3A_60 : vector<1x16xf32> to vector<16xf32>
        %swap3A_62 = vector.shape_cast %get3A_57 : vector<16xf32> to vector<1x16xf32>
        tpu.vector_store %arg7[%swap3A_58, %swap3A_59], %swap3A_62 {add = true, strides = array<i32>} : memref<200x64xf32, #tpu.memory_space<vmem>>, vector<1x16xf32>,
        %get3A_63 = arith.index_cast %scan3A_46 : i32 to index
        %get3A_64 = arith.constant 32 : index
        %get3A_65 = tpu.vector_load %arg8[%get3A_63, %get3A_64] {strides = array<i32>} : memref<200x64xf32, #tpu.memory_space<vmem>>, vector<1x16xf32>,
        %get3A_66 = vector.shape_cast %get3A_65 : vector<1x16xf32> to vector<16xf32>
        %swap3A_67 = arith.index_cast %scan3A_46 : i32 to index
        %swap3A_68 = arith.constant 32 : index
        %swap3A_69 = tpu.vector_load %arg7[%swap3A_67, %swap3A_68] {strides = array<i32>} : memref<200x64xf32, #tpu.memory_space<vmem>>, vector<1x16xf32>,
        %swap3A_70 = vector.shape_cast %swap3A_69 : vector<1x16xf32> to vector<16xf32>
        %swap3A_71 = vector.shape_cast %get3A_66 : vector<16xf32> to vector<1x16xf32>
        tpu.vector_store %arg7[%swap3A_67, %swap3A_68], %swap3A_71 {add = true, strides = array<i32>} : memref<200x64xf32, #tpu.memory_space<vmem>>, vector<1x16xf32>,
        %get3A_72 = arith.index_cast %scan3A_46 : i32 to index
        %get3A_73 = arith.constant 48 : index
        %get3A_74 = tpu.vector_load %arg8[%get3A_72, %get3A_73] {strides = array<i32>} : memref<200x64xf32, #tpu.memory_space<vmem>>, vector<1x16xf32>,
        %get3A_75 = vector.shape_cast %get3A_74 : vector<1x16xf32> to vector<16xf32>
        %swap3A_76 = arith.index_cast %scan3A_46 : i32 to index
        %swap3A_77 = arith.constant 48 : index
        %swap3A_78 = tpu.vector_load %arg7[%swap3A_76, %swap3A_77] {strides = array<i32>} : memref<200x64xf32, #tpu.memory_space<vmem>>, vector<1x16xf32>,
        %swap3A_79 = vector.shape_cast %swap3A_78 : vector<1x16xf32> to vector<16xf32>
        %swap3A_80 = vector.shape_cast %get3A_75 : vector<16xf32> to vector<1x16xf32>
        tpu.vector_store %arg7[%swap3A_76, %swap3A_77], %swap3A_80 {add = true, strides = array<i32>} : memref<200x64xf32, #tpu.memory_space<vmem>>, vector<1x16xf32>,
        %scan3A_81 = arith.constant 1 : i32
        %scan3A_82 = arith.addi %scan3A_46, %scan3A_81 : i32
        %get3A_83 = arith.index_cast %scan3A_82 : i32 to index
        %get3A_84 = arith.constant 0 : index
        %get3A_85 = tpu.vector_load %arg8[%get3A_83, %get3A_84] {strides = array<i32>} : memref<200x64xf32, #tpu.memory_space<vmem>>, vector<1x16xf32>,
        %get3A_86 = vector.shape_cast %get3A_85 : vector<1x16xf32> to vector<16xf32>
        %swap3A_87 = arith.index_cast %scan3A_82 : i32 to index
        %swap3A_88 = arith.constant 0 : index
        %swap3A_89 = tpu.vector_load %arg7[%swap3A_87, %swap3A_88] {strides = array<i32>} : memref<200x64xf32, #tpu.memory_space<vmem>>, vector<1x16xf32>,
        %swap3A_90 = vector.shape_cast %swap3A_89 : vector<1x16xf32> to vector<16xf32>
        %swap3A_91 = vector.shape_cast %get3A_86 : vector<16xf32> to vector<1x16xf32>
        tpu.vector_store %arg7[%swap3A_87, %swap3A_88], %swap3A_91 {add = true, strides = array<i32>} : memref<200x64xf32, #tpu.memory_space<vmem>>, vector<1x16xf32>,
        %get3A_92 = arith.index_cast %scan3A_82 : i32 to index
        %get3A_93 = arith.constant 16 : index
        %get3A_94 = tpu.vector_load %arg8[%get3A_92, %get3A_93] {strides = array<i32>} : memref<200x64xf32, #tpu.memory_space<vmem>>, vector<1x16xf32>,
        %get3A_95 = vector.shape_cast %get3A_94 : vector<1x16xf32> to vector<16xf32>
        %swap3A_96 = arith.index_cast %scan3A_82 : i32 to index
        %swap3A_97 = arith.constant 16 : index
        %swap3A_98 = tpu.vector_load %arg7[%swap3A_96, %swap3A_97] {strides = array<i32>} : memref<200x64xf32, #tpu.memory_space<vmem>>, vector<1x16xf32>,
        %swap3A_99 = vector.shape_cast %swap3A_98 : vector<1x16xf32> to vector<16xf32>
        %swap3A_100 = vector.shape_cast %get3A_95 : vector<16xf32> to vector<1x16xf32>
        tpu.vector_store %arg7[%swap3A_96, %swap3A_97], %swap3A_100 {add = true, strides = array<i32>} : memref<200x64xf32, #tpu.memory_space<vmem>>, vector<1x16xf32>,
        %get3A_101 = arith.index_cast %scan3A_82 : i32 to index
        %get3A_102 = arith.constant 32 : index
        %get3A_103 = tpu.vector_load %arg8[%get3A_101, %get3A_102] {strides = array<i32>} : memref<200x64xf32, #tpu.memory_space<vmem>>, vector<1x16xf32>,
        %get3A_104 = vector.shape_cast %get3A_103 : vector<1x16xf32> to vector<16xf32>
        %swap3A_105 = arith.index_cast %scan3A_82 : i32 to index
        %swap3A_106 = arith.constant 32 : index
        %swap3A_107 = tpu.vector_load %arg7[%swap3A_105, %swap3A_106] {strides = array<i32>} : memref<200x64xf32, #tpu.memory_space<vmem>>, vector<1x16xf32>,
        %swap3A_108 = vector.shape_cast %swap3A_107 : vector<1x16xf32> to vector<16xf32>
        %swap3A_109 = vector.shape_cast %get3A_104 : vector<16xf32> to vector<1x16xf32>
        tpu.vector_store %arg7[%swap3A_105, %swap3A_106], %swap3A_109 {add = true, strides = array<i32>} : memref<200x64xf32, #tpu.memory_space<vmem>>, vector<1x16xf32>,
        %get3A_110 = arith.index_cast %scan3A_82 : i32 to index
        %get3A_111 = arith.constant 48 : index
        %get3A_112 = tpu.vector_load %arg8[%get3A_110, %get3A_111] {strides = array<i32>} : memref<200x64xf32, #tpu.memory_space<vmem>>, vector<1x16xf32>,
        %get3A_113 = vector.shape_cast %get3A_112 : vector<1x16xf32> to vector<16xf32>
        %swap3A_114 = arith.index_cast %scan3A_82 : i32 to index
        %swap3A_115 = arith.constant 48 : index
        %swap3A_116 = tpu.vector_load %arg7[%swap3A_114, %swap3A_115] {strides = array<i32>} : memref<200x64xf32, #tpu.memory_space<vmem>>, vector<1x16xf32>,
        %swap3A_117 = vector.shape_cast %swap3A_116 : vector<1x16xf32> to vector<16xf32>
        %swap3A_118 = vector.shape_cast %get3A_113 : vector<16xf32> to vector<1x16xf32>
        tpu.vector_store %arg7[%swap3A_114, %swap3A_115], %swap3A_118 {add = true, strides = array<i32>} : memref<200x64xf32, #tpu.memory_space<vmem>>, vector<1x16xf32>,
      }
      %scan3A_45 = arith.constant 200 : i32
      "tpu.region"() ({
        %run_scoped3A = tpu.sem_alloc : memref<!tpu.dma_semaphore, #tpu.memory_space<semaphore_mem>>
        %dma_start3A_46 = arith.constant 0 : i32
        %dma_start3A_47 = arith.constant 0 : i32
        %dma_start3A_48 = tpu.memref_slice %arg5[%add3A_9, %dma_start3A_46, %dma_start3A_47] : memref<1024x200x64xf32, #tpu.memory_space<hbm>> -> memref<1x200x64xf32, #tpu.memory_space<hbm>>
        %dma_start3A_49 = tpu.memref_squeeze %dma_start3A_48 : memref<1x200x64xf32, #tpu.memory_space<hbm>> -> memref<200x64xf32, #tpu.memory_space<hbm>>
        %dma_start3A_50 = arith.constant 0 : i32
        %dma_start3A_51 = arith.constant 0 : i32
        %dma_start3A_52 = tpu.memref_slice %arg5[%add3A_9, %dma_start3A_50, %dma_start3A_51] : memref<1024x200x64xf32, #tpu.memory_space<hbm>> -> memref<1x200x64xf32, #tpu.memory_space<hbm>>
        %dma_start3A_53 = tpu.memref_squeeze %dma_start3A_52 : memref<1x200x64xf32, #tpu.memory_space<hbm>> -> memref<200x64xf32, #tpu.memory_space<hbm>>
        tpu.enqueue_dma source(%arg7 : memref<200x64xf32, #tpu.memory_space<vmem>>) target(%dma_start3A_53 : memref<200x64xf32, #tpu.memory_space<hbm>>) target_semaphore(%run_scoped3A : memref<!tpu.dma_semaphore, #tpu.memory_space<semaphore_mem>>)
        %dma_wait3A_54 = arith.constant 0 : i32
        %dma_wait3A_55 = arith.constant 0 : i32
        %dma_wait3A_56 = tpu.memref_slice %arg5[%add3A_9, %dma_wait3A_54, %dma_wait3A_55] : memref<1024x200x64xf32, #tpu.memory_space<hbm>> -> memref<1x200x64xf32, #tpu.memory_space<hbm>>
        %dma_wait3A_57 = tpu.memref_squeeze %dma_wait3A_56 : memref<1x200x64xf32, #tpu.memory_space<hbm>> -> memref<200x64xf32, #tpu.memory_space<hbm>>
        %dma_wait3A_58 = arith.constant 0 : i32
        %dma_wait3A_59 = arith.constant 0 : i32
        %dma_wait3A_60 = tpu.memref_slice %arg5[%add3A_9, %dma_wait3A_58, %dma_wait3A_59] : memref<1024x200x64xf32, #tpu.memory_space<hbm>> -> memref<1x200x64xf32, #tpu.memory_space<hbm>>
        %dma_wait3A_61 = tpu.memref_squeeze %dma_wait3A_60 : memref<1x200x64xf32, #tpu.memory_space<hbm>> -> memref<200x64xf32, #tpu.memory_space<hbm>>
        tpu.wait_dma2 semaphore(%run_scoped3A : memref<!tpu.dma_semaphore, #tpu.memory_space<semaphore_mem>>) src(%arg7 : memref<200x64xf32, #tpu.memory_space<vmem>>) dst(%dma_wait3A_61 : memref<200x64xf32, #tpu.memory_space<hbm>>)
        tpu.yield
      }) : () -> ()
    }
    %scan3A_7 = arith.constant 32 : i32
    return
  }
}

</mosaic_0001>

<sc_bundles>
// kernel: kernel.3.cloned.1.call-start
scs
__scs_entry_jumppad:
0x0: {  	(pc) =	sbr.rel $0x88, $3  }
0x1: {  	(tag) =	ssettag $0x0;
	lr =	simm.s32 $0x1  }
0x2: {  	[smem:$0x3F9E] =	sst lr;
	_ =	strace $0xD0000000  }
0x3: {  	_ = 	snop  }
0x4: {  	_ = 	snop  }
0x5: {  	_ = 	snop  }
0x6: {  	_ = 	snop  }
0x7: {  	_ = 	snop  }
__scs_overlays_trampoline_lowered:
0x8: {  	[smem:$0x3FAD] =	sst s0  }
0x9: {  	[smem:$0x3FAE] =	sst s1  }
0xa: {  	[smem:$0x3FAF] =	sst s2  }
0xb: {  	[smem:$0x3FB0] =	sst s3  }
0xc: {  	[smem:$0x3FB1] =	sst s4  }
0xd: {  	[smem:$0x3FB2] =	sst s5  }
0xe: {  	[smem:$0x3FB3] =	sst s6  }
0xf: {  	[smem:$0x3FB4] =	sst s7  }
0x10: {  	[smem:$0x3FB5] =	sst s8  }
0x11: {  	[smem:$0x3FB6] =	sst s9;
	s0 =	simm.s32 @!p0 $0x0  }
0x12: {  	s1 =	sld [smem:$0x3F9C];
	s0 =	simm.s32 @p0 $0x1  }
0x13: {  	[smem:$0x3FB7] =	sst s0;
	s0 =	simm.s32 @!p1 $0x0  }
0x14: {  	s2 =	sld [smem:$0x3F9B];
	s0 =	simm.s32 @p1 $0x1  }
0x15: {  	[smem:$0x3FB8] =	sst s0;
	s0 =	simm.s32 @!p2 $0x0  }
0x16: {  	s3 =	sld [smem:$0x3FDB];
	s0 =	simm.s32 @p2 $0x1  }
0x17: {  	s4 =	simm.s32 $0x1BF5;
	[smem:$0x3FBA] =	sst s0  }
0x18: {  	s0 =	sld [smem:$0x3F9D];
	_ =	swait.ge [sflag:s4], $0x0  }
0x19: {  	s7 =	sld [smem:$0x3F9E]  }
0x1a: {  	s8 =	sadd.s32 $0xFFFFE003, lr  }
0x1b: {  	s9 =	sadd.s32 $0xFFFFFEF7, lr;
	s5 =	simm.s32 $0xFFFFFFFF;
	p2 =	slt.u32 s8, $0xFFFFF086  }
0x1c: {  	p1 =	slt.u32 s9, $0xF7A;
	s5 =	simm.s32 @!p2 $0x0  }
0x1d: {  	s5 =	simm.s32 @p1 $0x1;
	p0 =	seq.s32 s7, s2  }
0x1e: {  	s7 =	smul.u32 @!p0 $0xF7A, s2;
	p2 =	seq.s32 @!p0 s5, $0x0  }
0x1f: {  	s9 =	smul.u32 $0xF7A, s1;
	s8 =	simm.s32 @!p0 $0x1BF5;
	p2 =	por !p2, p0  }
0x20: {  	[sflag:s8] =	ssyncset.s32 @!p0 $0xFFFFF086;
	s6 =	sadd.s32 @!p0 s3, s7;
	s7 =	simm.s32 @!p0 $0x108  }
0x21: {  	s3 =	sadd.s32 s3, s9;
	s6 =	sadd.s32 @!p0 $0x88, s6;
	s7 =	simm.s32 @p2 $0x1082  }
0x22: {  	[simem:s7], [sflag:s8] =	dma.local @!p0 [hbm:s6], $0xF7A  }
0x23: {  	s9 =	sor.u32 $0xD0000000, s2;
	s6 =	simm.s32 $0x108;
	_ =	swait.ge @!p0 [sflag:s8], $0x0  }
0x24: {  	s3 =	sadd.s32 $0x88, s3;
	s6 =	simm.s32 @!p1 $0x1082;
	[sflag:s4] =	ssyncset.s32 $0xFFFFF086  }
0x25: {  	[simem:s6], [sflag:s4] =	dma.local [hbm:s3], $0xF7A  }
0x26: {  	[smem:$0x3F9E] =	sst s1;
	(tag) =	ssettag s2;
	_ =	strace s9  }
0x27: {  	s1 =	sld [smem:$0x3FAE]  }
0x28: {  	s2 =	sld [smem:$0x3FAF]  }
0x29: {  	s4 =	sld [smem:$0x3FB1]  }
0x2a: {  	p0 =	seq.s32 s5, $0x0;
	s5 =	sld [smem:$0x3FB2]  }
0x2b: {  	s6 =	sld [smem:$0x3FB3]  }
0x2c: {  	s7 =	sld [smem:$0x3FB4]  }
0x2d: {  	s3 =	simm.s32 $0x108;
	s8 =	sld [smem:$0x3FB5]  }
0x2e: {  	s3 =	simm.s32 @!p0 $0x1082;
	s9 =	sld [smem:$0x3FB6]  }
0x2f: {  	lr =	sadd.s32 s0, s3;
	s0 =	sld [smem:$0x3FAD]  }
0x30: {  	s3 =	sld [smem:$0x3FB0]  }
0x31: {  	[smem:$0x3FB9] =	sst s10  }
0x32: {  	s10 =	sld [smem:$0x3FB7];
	_ =	sdelay $0x3  }
0x33: {  	p0 =	seq.s32 s10, $0x1;
	s10 =	sld [smem:$0x3FB9];
	_ =	sdelay $0x3  }
0x34: {  	[smem:$0x3FB9] =	sst s10  }
0x35: {  	s10 =	sld [smem:$0x3FB8];
	_ =	sdelay $0x3  }
0x36: {  	p1 =	seq.s32 s10, $0x1;
	s10 =	sld [smem:$0x3FB9];
	_ =	sdelay $0x3  }
0x37: {  	[smem:$0x3FB9] =	sst s10  }
0x38: {  	s10 =	sld [smem:$0x3FBA]  }
0x39: {  	_ = 	snop;
	(pc) =	sbr.ind lr, $3  }
0x3a: {  	_ = 	snop  }
0x3b: {  	_ = 	snop  }
0x3c: {  	p2 =	seq.s32 s10, $0x1;
	s10 =	sld [smem:$0x3FB9]  }
0x3d: {  	_ =	shalt  }
0x3e: {  	_ =	shalt  }
0x3f: {  	_ =	shalt  }
0x40: {  	_ =	shalt  }
0x41: {  	_ =	shalt  }
0x42: {  	_ =	shalt  }
0x43: {  	_ =	shalt  }
0x44: {  	_ =	shalt  }
0x45: {  	_ =	shalt  }
0x46: {  	_ =	shalt  }
0x47: {  	_ =	shalt  }
0x48: {  	_ =	shalt  }
0x49: {  	_ =	shalt  }
0x4a: {  	_ =	shalt  }
0x4b: {  	_ =	shalt  }
0x4c: {  	_ =	shalt  }
0x4d: {  	_ =	shalt  }
0x4e: {  	_ =	shalt  }
0x4f: {  	_ =	shalt  }
0x50: {  	_ =	shalt  }
0x51: {  	_ =	shalt  }
0x52: {  	_ =	shalt  }
0x53: {  	_ =	shalt  }
0x54: {  	_ =	shalt  }
0x55: {  	_ =	shalt  }
0x56: {  	_ =	shalt  }
0x57: {  	_ =	shalt  }
0x58: {  	_ =	shalt  }
0x59: {  	_ =	shalt  }
0x5a: {  	_ =	shalt  }
0x5b: {  	_ =	shalt  }
0x5c: {  	_ =	shalt  }
0x5d: {  	_ =	shalt  }
0x5e: {  	_ =	shalt  }
0x5f: {  	_ =	shalt  }
0x60: {  	_ =	shalt  }
0x61: {  	_ =	shalt  }
0x62: {  	_ =	shalt  }
0x63: {  	_ =	shalt  }
0x64: {  	_ =	shalt  }
0x65: {  	_ =	shalt  }
0x66: {  	_ =	shalt  }
0x67: {  	_ =	shalt  }
0x68: {  	_ =	shalt  }
0x69: {  	_ =	shalt  }
0x6a: {  	_ =	shalt  }
0x6b: {  	_ =	shalt  }
0x6c: {  	_ =	shalt  }
0x6d: {  	_ =	shalt  }
0x6e: {  	_ =	shalt  }
0x6f: {  	_ =	shalt  }
0x70: {  	_ =	shalt  }
0x71: {  	_ =	shalt  }
0x72: {  	_ =	shalt  }
0x73: {  	_ =	shalt  }
0x74: {  	_ =	shalt  }
0x75: {  	_ =	shalt  }
0x76: {  	_ =	shalt  }
0x77: {  	_ =	shalt  }
0x78: {  	_ =	shalt  }
0x79: {  	_ =	shalt  }
0x7a: {  	_ =	shalt  }
0x7b: {  	_ =	shalt  }
0x7c: {  	_ =	shalt  }
0x7d: {  	_ =	shalt  }
0x7e: {  	_ =	shalt  }
0x7f: {  	_ =	shalt  }
0x80: {  	_ =	shalt  }
0x81: {  	_ =	shalt  }
0x82: {  	_ =	shalt  }
0x83: {  	_ =	shalt  }
0x84: {  	_ =	shalt  }
0x85: {  	_ =	shalt  }
0x86: {  	_ =	shalt  }
0x87: {  	_ =	shalt  }
.Lfunc_end0:
.L_simem_size_0:
called_computation.1_lowered:
.L_overlay_start_0:
0x88: {  	s2 =	sld [smem:$0x3FD9]  }
0x89: {  	s3 =	sld [smem:$0x3FFE];
	_ =	sdelay $0x1  }
0x8a: {  	s1 =	srdreg.scid  }
0x8b: {  	s0 =	sand.u32 $0x1, s1  }
0x8c: {  	s17 =	sshll.u32 s0, $0xA;
	s2 =	sadd.s32 s3, s2  }
0x8d: {  	s2 =	sadd.s32 s2, s17  }
0x8e: {  	[smem:$0x3FC5] =	sst s2  }
0x8f: {  	_ = 	snop  }
0x90: {  	s2 =	sld [smem:$0x3FD0];
	(tm) =	ssettm $0x1  }
0x91: {  	s18 =	sld [smem:$0x3FFB];
	_ =	sdelay $0x3  }
0x92: {  	_ =	strace s18  }
0x93: {  	s3 =	sld [smem:$0x3FFC];
	_ =	sdelay $0x3  }
0x94: {  	_ =	strace s3  }
0x95: {  	s3 =	sld [smem:$0x3FFD];
	_ =	sdelay $0x3  }
0x96: {  	_ =	strace s3  }
0x97: {  	_ =	strace $0x8FFFFFFF  }
0x98: {  	s19 =	sld [smem:$0x3FDB];
	_ =	sdelay $0x1  }
0x99: {  	s4 =	simm.s32 $_scs_section_size  }
0x9a: {  	s5 =	simm.s32 $_size__tile_overlayer_lowered;
	s6 =	simm.s32 $_tile_overlayer_lowered  }
0x9b: {  	s22 =	simm.s32 $0x1BFF;
	s21 =	sshll.u32 s6, $0x1;
	s3 =	sadd.s32 s4, s19  }
0x9c: {  	s7 =	simm.s32 $0x0;
	s20 =	sshll.u32 s5, $0x1;
	s5 =	sadd.s32 s21, s3  }
0x9d: {  	[timem:s7], [sflag:s22] =	dma.local [hbm:s5], s20  }
0x9e: {  	_ =	swait.ge [sflag:s22], s20  }
0x9f: {  	s4 =	ssub.s32 $0x0, s20;
	[sflag:s22] =	ssyncset.done $0x0  }
0xa0: {  	[sflag:s22] =	ssyncadd.s32 s4;
	_ =	sdelay $0x1  }
0xa1: {  	s23 =	simm.s32 $0x1B8B  }
0xa2: {  	_ =	swait.ge [sflag:s23], $0x1  }
0xa3: {  	[sflag:s23] =	ssyncset.done $0x0  }
0xa4: {  	s25 =	simm.s32 $0x1B8E;
	s24 =	sld [smem:$0x3FFE];
	[sflag:s23] =	ssyncadd.s32 $0xFFFFFFFF  }
0xa5: {  	s26 =	simm.s32 $execute0_lowered;
	[smem:$0x3FD2] =	sst s25  }
0xa6: {  	s5 =	sshll.u32 s26, $0x1;
	_ =	strace $0x80000046;
	[dreg:$0x1] =	wrdreg $0xFFFFFFFF  }
0xa7: {  	s28 =	simm.s32 $_size_execute0_lowered;
	s3 =	sadd.s32 s3, s5;
	[dreg:$0x0] =	wrdreg $0x0  }
0xa8: {  	s5 =	sshll.u32 s28, $0x1;
	[dreg:$0x2] =	wrdreg s3  }
0xa9: {  	[dreg:$0x3] =	wrdreg s5  }
0xaa: {  	[dreg:$0x4] =	wrdreg $0xC0  }
0xab: {  	_ =	task [dreg:s7], $0x5FFFF  }
0xac: {  	[dreg:$0x1] =	wrdreg $0xFFFFFFFF  }
0xad: {  	[dreg:$0x0] =	wrdreg $0x60  }
0xae: {  	[dreg:$0x2] =	wrdreg s24  }
0xaf: {  	[dreg:$0x3] =	wrdreg s2  }
0xb0: {  	[dreg:$0x4] =	wrdreg $0x9  }
0xb1: {  	_ =	task.clear_ibuf [dreg:s7], $0x5FFFF;
	_ =	strace $0x90000046  }
0xb2: {  	s29 =	simm.s32 $0x9;
	_ =	strace $0x80000048  }
0xb3: {  	_ =	swait.ge [sflag:s29], $0x1  }
0xb4: {  	[sflag:s29] =	ssyncadd.s32 $0xFFFFFFFF  }
0xb5: {  	_ =	strace $0x90000048  }
0xb6: {  	_ =	sfence  }
0xb7: {  	s30 =	sld [smem:$0x0];
	_ =	sdelay $0x2  }
0xb8: {  	s31 =	sshll.u32 s1, $0xD;
	s1 =	sshrl.u32 s1, $0x2  }
0xb9: {  	s3 =	sand.u32 $0x4000, s31;
	s1 =	sadd.s32 s1, s30  }
0xba: {  	s0 =	sor.u32 s3, s0;
	s1 =	sshll.u32 s1, $0x11  }
0xbb: {  	s0 =	sor.u32 s1, s0  }
0xbc: {  	s0 =	sadd.s32 $0x8F2B, s0  }
0xbd: {  	[sflag:s0] =	ssyncadd.remote.s32 $0x1  }
0xbe: {  	_ =	sfence.sel $0xFFFF  }
0xbf: {  	[dreg:$0x0] =	wrdreg $0xFFFFFFFF;
	(pc) =	sbr.abs _section_cstart, $3  }
0xc0: {  	[dreg:$0x1] =	wrdreg $0xFFFFFFFF  }
0xc1: {  	_ =	task.clear_ibuf [dreg:s7], $0x2FFFF;
	_ =	strace $0x9FFFFFFF  }
0xc2: {  	(tm) =	ssettm $0x7FFFFFFF  }
0xc3: {  	_ =	shalt  }
tec
execute0_lowered:
.L_overlay_start_1:
0x0: {  	(tag) =	ssettag $0x1  }
0x1: {  	s6 =	rddreg [dreg:$0x0]  }
0x2: {  	s1 =	rddreg [dreg:$0x1]  }
0x3: {  	s0 =	rddreg [dreg:$0x2]  }
0x4: {  	s2 =	simm.s32 $0x0;
	s3 =	srdreg.scid;
	s11 =	simm.s32 $0x80  }
0x5: {  	s12 =	simm.s32 $0xC8;
	s13 =	simm.s32 $0x48;
	s14 =	simm.s32 $0x20C8  }
0x6: {  	s15 =	simm.s32 $0x1;
	s16 =	simm.s32 $0x0;
	[smem:$0x7FF] =	sst s2  }
0x7: {  	s4 =	sadd.s32 $0xAA00, s6;
	s7 =	sand.u32 $0x1, s3;
	s5 =	sadd.s32 $0xF43000, s6  }
0x8: {  	s3 =	stileid.u32;
	s6 =	sadd.s32 $0xC00, s6;
	s8 =	ssub.s32 $0x2, s7  }
0x9: {  	s10 =	sshll.u32 s3, $0x6;
	s7 =	sshll.u32 s7, $0x5;
	s9 =	sshrl.u32 s8, $0x1  }
0xa: {  	_ =	strace $0x80000047;
	s7 =	sor.u32 s7, s10;
	s8 =	ssub.s32 s8, s9  }
0xb: {  	s10 =	simm.s32 $0x2;
	s9 =	simm.s32 $0x32C8;
	s8 =	smax.u32 s8, $0x1  }
.LBB2_1:
0xc: {  	[tilespmem:s9], [sflag:$0x2] =	stream.linear.gather [hbm4b:s6+s2], $0x3200, $0x38;
	[tilespmem:$0x64C8] =	vst v63  }
0xd: {  	_ =	swait.ge [sflag:s10], $0x3200  }
0xe: {  	[sflag:s10] =	ssyncset.done $0x0  }
0xf: {  	s17 =	simm.s32 $0x0;
	[sflag:s10] =	ssyncadd.s32 $0xFFFFCE00  }
.LBB2_2:
0x10: {  	s18 =	sadd.s32 s7, s17  }
0x11: {  	s19 =	smul.u32 $0x19, s18;
	_ =	sdelay $0x1  }
0x12: {  	s20 =	simm.s32 $0x0;
	s19 =	sadd.s32 s4, s19  }
0x13: {  	[tilespmem:s20], [sflag:$0x2] =	stream.linear.gather [hbm4b:s19+s20], $0xC8, $0x38;
	[tilespmem:$0x64C8] =	vst v63  }
0x14: {  	_ =	swait.ge [sflag:s10], $0xC8  }
0x15: {  	[sflag:s10] =	ssyncset.done $0x0  }
0x16: {  	[sflag:s10] =	ssyncadd.s32 $0xFFFFFF38  }
0x17: {  	[tilespmem:s12], [sflag:$0x1] =	stream.indirect.gather [hbm4b:s5+s11], $0x40, s20, s11, $0xb8;
	[tilespmem:$0x64C8] =	vst v63  }
0x18: {  	_ = 	snop  }
0x19: {  	[tilespmem:s14], [sflag:$0x1] =	stream.indirect.gather [hbm4b:s5+s13], $0x40, s11, s13, $0xb8;
	[tilespmem:$0x64C8] =	vst v63  }
0x1a: {  	_ =	swait.ge [sflag:s15], $0x2000  }
0x1b: {  	[sflag:s15] =	ssyncset.done $0x0  }
0x1c: {  	[sflag:s15] =	ssyncadd.s32 $0xFFFFE000  }
0x1d: {  	_ =	swait.ge [sflag:s15], $0x1200  }
0x1e: {  	[sflag:s15] =	ssyncset.done $0x0  }
0x1f: {  	s19 =	simm.s32 $0x0;
	[sflag:s15] =	ssyncadd.s32 $0xFFFFEE00  }
0x20: {  	v0 =	vld [tilespmem:s19+$0x3338]  }
0x21: {  	v1 =	vld [tilespmem:s19+$0x32C8]  }
0x22: {  	v2 =	vld [tilespmem:s19+$0x32D8]  }
0x23: {  	v3 =	vld [tilespmem:s19+$0x32E8]  }
0x24: {  	v4 =	vld [tilespmem:s19+$0x32F8]  }
0x25: {  	v5 =	vld [tilespmem:s19+$0x3308]  }
0x26: {  	v6 =	vld [tilespmem:s19+$0x3318]  }
0x27: {  	[tilespmem:s19+$0x138] =	vst.add.f32.msk $0xffff, v0  }
0x28: {  	v0 =	vld [tilespmem:s19+$0x3328]  }
0x29: {  	[tilespmem:s19+$0xC8] =	vst.add.f32.msk $0xffff, v1  }
0x2a: {  	[tilespmem:s19+$0xD8] =	vst.add.f32.msk $0xffff, v2  }
0x2b: {  	[tilespmem:s19+$0xE8] =	vst.add.f32.msk $0xffff, v3  }
0x2c: {  	[tilespmem:s19+$0xF8] =	vst.add.f32.msk $0xffff, v4  }
0x2d: {  	[tilespmem:s19+$0x108] =	vst.add.f32.msk $0xffff, v5  }
0x2e: {  	s21 =	simm.s32 $0x200;
	s20 =	simm.s32 $0x0;
	[tilespmem:s19+$0x118] =	vst.add.f32.msk $0xffff, v6  }
.LBB2_3:
0x2f: {  	s20 =	sadd.s32 $0x2, s20;
	[tilespmem:s19+$0x128] =	vst.add.f32.msk $0xffff, v0;
	s19 =	sshra.s32 s21, $0x2  }
0x30: {  	v0 =	vld [tilespmem:s19+$0x3338];
	p0 =	slt.u32 s20, $0xC6  }
0x31: {  	v1 =	vld [tilespmem:s19+$0x32C8]  }
0x32: {  	v2 =	vld [tilespmem:s19+$0x32D8]  }
0x33: {  	v3 =	vld [tilespmem:s19+$0x32E8]  }
0x34: {  	v4 =	vld [tilespmem:s19+$0x32F8]  }
0x35: {  	[tilespmem:s19+$0x138] =	vst.add.f32.msk $0xffff, v0  }
0x36: {  	v5 =	vld [tilespmem:s19+$0x3308]  }
0x37: {  	v6 =	vld [tilespmem:s19+$0x3318]  }
0x38: {  	v0 =	vld [tilespmem:s19+$0x3328]  }
0x39: {  	[tilespmem:s19+$0xC8] =	vst.add.f32.msk $0xffff, v1  }
.Ltmp0:
0x3a: {  	[tilespmem:s19+$0xD8] =	vst.add.f32.msk $0xffff, v2;
	(pc) =	sbr.rel @p0 .LBB2_3-.Ltmp0, $4  }
0x3b: {  	[tilespmem:s19+$0xE8] =	vst.add.f32.msk $0xffff, v3  }
0x3c: {  	[tilespmem:s19+$0xF8] =	vst.add.f32.msk $0xffff, v4  }
0x3d: {  	[tilespmem:s19+$0x108] =	vst.add.f32.msk $0xffff, v5  }
0x3e: {  	s21 =	sadd.s32 $0x200, s21;
	[tilespmem:s19+$0x118] =	vst.add.f32.msk $0xffff, v6  }
0x3f: {  	s18 =	smul.u32 $0x640, s18;
	s17 =	sadd.s32 $0x1, s17  }
0x40: {  	p0 =	sne.s32 s17, $0x20  }
.Ltmp1:
0x41: {  	[tilespmem:s19+$0x128] =	vst.add.f32.msk $0xffff, v0;
	s18 =	sadd.s32 s1, s18;
	(pc) =	sbr.rel @p0 .LBB2_2-.Ltmp1, $4  }
0x42: {  	[hbm4b:s18+s2] =	stream.linear.scatter [tilespmem:s12], [sflag:$0x2], $0x3200, $0x38;
	[tilespmem:$0x64C8] =	vst v63  }
0x43: {  	_ =	swait.ge [sflag:s10], $0x3200  }
0x44: {  	[sflag:s10] =	ssyncset.done $0x0  }
0x45: {  	[sflag:s10] =	ssyncadd.s32 $0xFFFFCE00  }
0x46: {  	s16 =	sadd.s32 $0x1, s16  }
0x47: {  	p0 =	sne.s32 s16, s8  }
.Ltmp2:
0x48: {  	_ = 	snop;
	(pc) =	sbr.rel @p0 .LBB2_1-.Ltmp2, $1  }
0x49: {  	_ =	sdelay $0x3  }
0x4a: {  	_ =	sfence.sel $0x180000  }
0x4b: {  	[bflag:$0x0] =	sbarrier.arrive $0xFFFF  }
0x4c: {  	p0 =	sne.s32 s3, $0x0;
	_ =	strace $0x90000047  }
0x4d: {  	s0 =	sadd.s32 @!p0 $0x100000, s0;
	[bflag:$0x2] =	sbarrier.arrive $0xFFFF  }
0x4e: {  	[sflag:s0] =	ssyncadd.tile.s32 @!p0 $0x1;
	_ =	shalt  }
.Lfunc_end2:
_tile_overlayer_lowered:
.L_overlay_start_2:
0x4f: {  	(tag) =	ssettag $0x2  }
0x50: {  	s0 =	rddreg [dreg:$0x0];
	s2 =	stileid.u32  }
0x51: {  	s1 =	rddreg [dreg:$0x1];
	p0 =	sne.s32 s2, $0x0  }
0x52: {  	s3 =	rddreg [dreg:$0x2];
	[bflag:$0x3] =	sbarrier.arrive $0xFFFF;
	s2 =	simm.s32 @!p0 $0x1C02  }
0x53: {  	[timem:s3], [sflag:s2] =	dma.local @!p0 [hbm:s0], s1  }
0x54: {  	s0 =	simm.s32 @!p0 $0x2  }
0x55: {  	_ =	swait.ge @!p0 [sflag:s0], s1  }
0x56: {  	s1 =	ssub.s32 @!p0 $0x0, s1;
	[sflag:s0] =	ssyncset.done @!p0 $0x0  }
0x57: {  	[sflag:s0] =	ssyncadd.s32 @!p0 s1  }
0x58: {  	[bflag:$0x3] =	sbarrier.arrive $0xFFFF  }
0x59: {  	_ =	shalt  }

// kernel: sparse-core-data-format-call.cloned.1.call-start
scs
called_computation_lowered:
.L_overlay_start_0:
0x0: {  	s2 =	sld [smem:$0x3FD9]  }
0x1: {  	s3 =	sld [smem:$0x3FFE];
	_ =	sdelay $0x1  }
0x2: {  	s1 =	srdreg.scid  }
0x3: {  	s0 =	sand.u32 $0x1, s1  }
0x4: {  	s18 =	sshll.u32 s0, $0xA;
	s2 =	sadd.s32 s3, s2  }
0x5: {  	s2 =	sadd.s32 s2, s18  }
0x6: {  	[smem:$0x3FC5] =	sst s2  }
0x7: {  	_ = 	snop  }
0x8: {  	s2 =	sld [smem:$0x3FD0];
	(tm) =	ssettm $0x1  }
0x9: {  	s19 =	sld [smem:$0x3FFB];
	_ =	sdelay $0x3  }
0xa: {  	_ =	strace s19  }
0xb: {  	s3 =	sld [smem:$0x3FFC];
	_ =	sdelay $0x3  }
0xc: {  	_ =	strace s3  }
0xd: {  	s3 =	sld [smem:$0x3FFD];
	_ =	sdelay $0x3  }
0xe: {  	_ =	strace s3  }
0xf: {  	_ =	strace $0x8FFFFFFF  }
0x10: {  	s20 =	sld [smem:$0x3FDB];
	_ =	sdelay $0x1  }
0x11: {  	s4 =	simm.s32 $_scs_section_size  }
0x12: {  	s5 =	simm.s32 $_size__tile_overlayer_lowered;
	s6 =	simm.s32 $_tile_overlayer_lowered  }
0x13: {  	s23 =	simm.s32 $0x1BFF;
	s22 =	sshll.u32 s6, $0x1;
	s3 =	sadd.s32 s4, s20  }
0x14: {  	s7 =	simm.s32 $0x0;
	s21 =	sshll.u32 s5, $0x1;
	s5 =	sadd.s32 s22, s3  }
0x15: {  	[timem:s7], [sflag:s23] =	dma.local [hbm:s5], s21  }
0x16: {  	_ =	swait.ge [sflag:s23], s21  }
0x17: {  	s4 =	ssub.s32 $0x0, s21;
	[sflag:s23] =	ssyncset.done $0x0  }
0x18: {  	[sflag:s23] =	ssyncadd.s32 s4;
	_ =	sdelay $0x1  }
0x19: {  	s24 =	simm.s32 $0x1B8B  }
0x1a: {  	_ =	swait.ge [sflag:s24], $0x1  }
0x1b: {  	[sflag:s24] =	ssyncset.done $0x0  }
0x1c: {  	s26 =	simm.s32 $0x1B8E;
	s25 =	sld [smem:$0x3FFE];
	[sflag:s24] =	ssyncadd.s32 $0xFFFFFFFF  }
0x1d: {  	s27 =	simm.s32 $execute0_lowered;
	[smem:$0x3FD2] =	sst s26  }
0x1e: {  	s5 =	sshll.u32 s27, $0x1;
	_ =	strace $0x80000049;
	[dreg:$0x1] =	wrdreg $0xFFFFFFFF  }
0x1f: {  	s28 =	simm.s32 $_size_execute0_lowered;
	s3 =	sadd.s32 s3, s5;
	[dreg:$0x0] =	wrdreg $0x0  }
0x20: {  	s5 =	sshll.u32 s28, $0x1;
	[dreg:$0x2] =	wrdreg s3  }
0x21: {  	[dreg:$0x3] =	wrdreg s5  }
0x22: {  	[dreg:$0x4] =	wrdreg $0xC0  }
0x23: {  	_ =	task [dreg:s7], $0x5FFFF  }
0x24: {  	[dreg:$0x1] =	wrdreg $0xFFFFFFFF  }
0x25: {  	[dreg:$0x0] =	wrdreg $0x60  }
0x26: {  	[dreg:$0x2] =	wrdreg s25  }
0x27: {  	[dreg:$0x3] =	wrdreg s2  }
0x28: {  	[dreg:$0x4] =	wrdreg $0x9  }
0x29: {  	_ =	task.clear_ibuf [dreg:s7], $0x5FFFF;
	_ =	strace $0x90000049  }
0x2a: {  	s29 =	simm.s32 $0x9;
	_ =	strace $0x8000004B  }
0x2b: {  	_ =	swait.ge [sflag:s29], $0x1  }
0x2c: {  	[sflag:s29] =	ssyncadd.s32 $0xFFFFFFFF  }
0x2d: {  	_ =	strace $0x9000004B  }
0x2e: {  	_ =	sfence  }
0x2f: {  	s30 =	sld [smem:$0x0];
	_ =	sdelay $0x2  }
0x30: {  	s31 =	sshll.u32 s1, $0xD;
	s1 =	sshrl.u32 s1, $0x2  }
0x31: {  	s3 =	sand.u32 $0x4000, s31;
	s1 =	sadd.s32 s1, s30  }
0x32: {  	s0 =	sor.u32 s3, s0;
	s1 =	sshll.u32 s1, $0x11  }
0x33: {  	s0 =	sor.u32 s1, s0  }
0x34: {  	s0 =	sadd.s32 $0x8F2B, s0  }
0x35: {  	[sflag:s0] =	ssyncadd.remote.s32 $0x1  }
0x36: {  	_ =	sfence.sel $0xFFFF  }
0x37: {  	[dreg:$0x0] =	wrdreg $0xFFFFFFFF;
	(pc) =	sbr.abs _section_cstart, $3  }
0x38: {  	[dreg:$0x1] =	wrdreg $0xFFFFFFFF  }
0x39: {  	_ =	task.clear_ibuf [dreg:s7], $0x2FFFF;
	_ =	strace $0x9FFFFFFF  }
0x3a: {  	(tm) =	ssettm $0x7FFFFFFF  }
0x3b: {  	_ =	shalt  }
tec
execute0_lowered:
.L_overlay_start_1:
0x0: {  	(tag) =	ssettag $0x1  }
0x1: {  	s0 =	stileid.u32;
	s6 =	rddreg [dreg:$0x0]  }
0x2: {  	s2 =	rddreg [dreg:$0x1];
	s5 =	srdreg.scid  }
0x3: {  	s31 =	simm.s32 $0x2;
	s13 =	simm.s32 $0x0;
	s1 =	sshll.u32 s0, $0x7  }
0x4: {  	s14 =	simm.s32 $0x0;
	s12 =	simm.s32 $0x0;
	s3 =	sand.u32 $0x380, s1  }
0x5: {  	s5 =	sshll.u32 s5, $0x4;
	s6 =	sadd.s32 $0xC00, s6;
	s4 =	ssub.s32 $0x400, s3  }
0x6: {  	s1 =	rddreg [dreg:$0x2];
	_ =	strace $0x8000004A;
	s7 =	sand.u32 $0x380, s4  }
0x7: {  	s5 =	sand.u32 $0x10, s5;
	p0 =	sne.s32 s7, $0x0;
	s7 =	simm.s32 $0x1  }
.Ltmp0:
0x8: {  	s8 =	sshrl.u32 s4, $0xA;
	s7 =	simm.s32 @!p0 $0x0;
	(pc) =	sbr.rel .LBB1_1-.Ltmp0, $4  }
0x9: {  	s9 =	sor.u32 s0, s5;
	s4 =	simm.s32 $0x1;
	s30 =	sadd.s32 s7, s8  }
0xa: {  	s11 =	smov.u32 s3;
	[sflag:s4] =	ssyncpa.u1 $0x0;
	s5 =	smul.u32 $0x32, s30  }
0xb: {  	[sflag:s31] =	ssyncpa.u1 $0x0;
	p0 =	por $0x0, $0x0;
	s7 =	sshrl.u32 s9, $0x3  }
0xc: {  	s9 =	simm.s32 $0x2000;
	s10 =	smov.u32 s7;
	s8 =	sor.u32 $0x1, s5  }
.LBB1_4:
0xd: {  	s17 =	sand.u32 $0x1F80, s14;
	s13 =	sshll.u32 s13, $0xD  }
0xe: {  	[tilespmem:s16+$0x810 ss:$0x81] =	vst.msk $0xffff, v2;
	s18 =	sshrl.u32 s14, $0x3;
	s31 =	sand.u32 $0x7, s14;
	s17 =	sadd.s32 s2, s17  }
0xf: {  	[tilespmem:s16+$0x1020 ss:$0x81] =	vst.msk $0xffff, v0;
	s18 =	sand.u32 $0xF, s18;
	s14 =	sshll.u32 s31, $0x12;
	s13 =	sadd.s32 s13, s17  }
0x10: {  	[tilespmem:s16+$0x0 ss:$0x81] =	vst.msk $0xffff, v1;
	s14 =	sor.u32 $0x400, s14;
	s13 =	sadd.s32 s18, s13  }
0x11: {  	[hbm4b:s13+s14] =	stream.strided.scatter [tilespmem:s15], [sflag:$0x2], $0x2000, s9, s14, $0x20;
	[tilespmem:$0x8080] =	vst v63  }
.LBB1_5:
0x12: {  	s15 =	sadd.s32 $0x4, s10  }
0x13: {  	s13 =	sadd.s32 $0x400, s11;
	s17 =	smov.u32 s11;
	p2 =	sgt.s32 s15, $0xC7  }
0x14: {  	s17 =	smov.u32 @p2 s13  }
0x15: {  	s15 =	smov.u32 @p2 s7;
	p2 =	sgt.s32 s17, $0x3FF  }
0x16: {  	s17 =	smov.u32 @p2 s3;
	p2 =	sne.s32 s12, s8  }
.Ltmp1:
0x17: {  	p1 =	slt.u32 s12, $0x2;
	(pc) =	sbr.rel @!p2 .LBB1_6-.Ltmp1, $4  }
0x18: {  	s16 =	simm.s32 @!p1 $0x2  }
0x19: {  	s14 =	smov.u32 s11;
	p0 =	por !p0, !p0;
	_ =	swait.ge @!p1 [sflag:s16], $0x2000  }
0x1a: {  	s13 =	smov.u32 s10;
	[sflag:s16] =	ssyncset.done @!p1 $0x0;
	s10 =	smov.u32 s15  }
0x1b: {  	s12 =	sadd.s32 $0x1, s12;
	[sflag:s16] =	ssyncadd.s32 @!p1 $0xFFFFE000;
	s11 =	smov.u32 s17  }
.LBB1_1:
0x1c: {  	p1 =	sge.u32 s12, s5  }
0x1d: {  	s15 =	sand.u32 @!p1 $0x1FFFFFF, s10  }
0x1e: {  	s16 =	smulhi.u32 @!p1 $0x147AE15, s15;
	_ =	sdelay $0x1  }
0x1f: {  	s16 =	smul.u32 @!p1 $0xC8, s16  }
0x20: {  	s17 =	sxor.u32 @!p1 $0xFFFFFFFF, s12;
	s18 =	smul.u32 @!p1 $0xC80, s11  }
0x21: {  	s31 =	sadd.s32 $0xFFFFFFFF, s12;
	s17 =	sshll.u32 @!p1 s17, $0xD;
	s15 =	ssub.s32 @!p1 s15, s16  }
0x22: {  	s16 =	sand.u32 @!p1 $0x2000, s17;
	s17 =	sadd.s32 @!p1 s6, s18;
	s15 =	sshll.u32 @!p1 s15, $0x4  }
0x23: {  	s18 =	simm.s32 @!p1 $0x6400;
	s15 =	sadd.s32 @!p1 s15, s17;
	s17 =	simm.s32 @!p1 $0x40  }
0x24: {  	[tilespmem:s16], [sflag:$0x1] =	stream.strided.gather @!p1 [hbm4b:s15+s17], $0x2000, s18, s17, $0x38;
	[tilespmem:$0x8080] =	vst v63  }
0x25: {  	p1 =	sge.u32 s31, s5  }
.Ltmp2:
0x26: {  	_ = 	snop;
	(pc) =	sbr.rel @p1 .LBB1_5-.Ltmp2, $1  }
0x27: {  	_ =	sdelay $0x3  }
0x28: {  	s15 =	simm.s32 $0x1  }
0x29: {  	_ =	swait.ge [sflag:s4], $0x2000;
	s15 =	simm.s32 @!p0 $0x0  }
0x2a: {  	[sflag:s4] =	ssyncset.done $0x0;
	s16 =	sshll.u32 s15, $0xD  }
0x2b: {  	[sflag:s4] =	ssyncadd.s32 $0xFFFFE000;
	s19 =	sor.u32 $0x20, s16  }
0x2c: {  	s15 =	smul.u32 $0x8100, s15;
	v3 =	vld [tilespmem:s19+$0x10]  }
0x2d: {  	s30 =	sand.u32 $0x1, s12;
	v2 =	vld [tilespmem:s19+$0xFFFFFFF0]  }
0x2e: {  	s16 =	smul.u32 $0x8100, s30;
	s15 =	sshrl.u32 s15, $0x2;
	v0 =	vld [tilespmem:s19+$0x0]  }
0x2f: {  	v1 =	vld [tilespmem:s19+$0xFFFFFFE0];
	s17 =	sor.u32 $0x4000, s15  }
0x30: {  	s31 =	sshrl.u32 s16, $0x2;
	s16 =	sadd.s32 $0x0, s17  }
0x31: {  	s18 =	simm.s32 $0x4;
	s19 =	sadd.s32 $0x40, s19;
	s15 =	sor.u32 $0x4000, s31;
	[tilespmem:s16+$0x1830 ss:$0x81] =	vst.msk $0xffff, v3  }
.LBB1_3:
0x32: {  	v3 =	vld [tilespmem:s19+$0x10];
	p1 =	sne.s32 s18, $0x1FC;
	[tilespmem:s16+$0x810 ss:$0x81] =	vst.msk $0xffff, v2;
	s20 =	smov.u32 s18;
	s18 =	sadd.s32 $0x4, s18  }
.Ltmp3:
0x33: {  	v2 =	vld [tilespmem:s19+$0xFFFFFFF0];
	[tilespmem:s16+$0x1020 ss:$0x81] =	vst.msk $0xffff, v0;
	(pc) =	sbr.rel @p1 .LBB1_3-.Ltmp3, $4  }
0x34: {  	v0 =	vld [tilespmem:s19+$0x0];
	[tilespmem:s16+$0x0 ss:$0x81] =	vst.msk $0xffff, v1  }
0x35: {  	s16 =	sshra.s32 s20, $0x2;
	v1 =	vld [tilespmem:s19+$0xFFFFFFE0]  }
0x36: {  	s16 =	sadd.s32 s16, s17  }
0x37: {  	s19 =	sadd.s32 $0x40, s19;
	[tilespmem:s16+$0x1830 ss:$0x81] =	vst.msk $0xffff, v3  }
.Ltmp4:
0x38: {  	_ = 	snop;
	(pc) =	sbr.rel .LBB1_4-.Ltmp4, $1  }
0x39: {  	_ =	sdelay $0x3  }
.LBB1_6:
0x3a: {  	_ =	sfence.sel $0x180000  }
0x3b: {  	s2 =	simm.s32 $0x1;
	[bflag:$0x0] =	sbarrier.arrive $0xFFFF  }
0x3c: {  	s31 =	simm.s32 $0x2;
	[sflag:s2] =	ssyncpa.u1 $0x1  }
0x3d: {  	[sflag:s31] =	ssyncpa.u1 $0x1  }
0x3e: {  	p0 =	sne.s32 s0, $0x0;
	_ =	strace $0x9000004A  }
0x3f: {  	s0 =	sadd.s32 @!p0 $0x100000, s1;
	[bflag:$0x2] =	sbarrier.arrive $0xFFFF  }
0x40: {  	[sflag:s0] =	ssyncadd.tile.s32 @!p0 $0x1;
	_ =	shalt  }
.Lfunc_end1:
_tile_overlayer_lowered:
.L_overlay_start_2:
0x41: {  	(tag) =	ssettag $0x2  }
0x42: {  	s0 =	rddreg [dreg:$0x0];
	s2 =	stileid.u32  }
0x43: {  	s1 =	rddreg [dreg:$0x1];
	p0 =	sne.s32 s2, $0x0  }
0x44: {  	s3 =	rddreg [dreg:$0x2];
	[bflag:$0x3] =	sbarrier.arrive $0xFFFF;
	s2 =	simm.s32 @!p0 $0x1C01  }
0x45: {  	[timem:s3], [sflag:s2] =	dma.local @!p0 [hbm:s0], s1  }
0x46: {  	s0 =	simm.s32 @!p0 $0x1  }
0x47: {  	_ =	swait.ge @!p0 [sflag:s0], s1  }
0x48: {  	s1 =	ssub.s32 @!p0 $0x0, s1;
	[sflag:s0] =	ssyncset.done @!p0 $0x0  }
0x49: {  	[sflag:s0] =	ssyncadd.s32 @!p0 s1  }
0x4a: {  	[bflag:$0x3] =	sbarrier.arrive $0xFFFF  }
0x4b: {  	_ =	shalt  }

</sc_bundles>
